<compile_context>
chip_gen: v7x
topology: tpu7x:2x2x1
jax: 0.10.2.dev20260603
libtpu: 0.0.44.dev20260713+nightly
codegen_flags: <defaults>
</compile_context>

<pallas_src>
import functools
import math

import jax
import jax.numpy as jnp
from jax import lax
from jax.experimental import pallas as pl
from jax.experimental.pallas import tpu as pltpu
from jax.experimental.pallas import tpu_sc as plsc

BATCH = 4096
SEQ = 50
D = 128
NC = 2
NS = 16
NW = NC * NS
COLS_PER_W = BATCH // NW
SCALE = math.sqrt(128.0)
L = 16
NBUF = 5


def _emb_body(table_hbm, idx_hbm, out_hbm, idx_v, big, gsems, ssems):
    c = lax.axis_index("c")
    s = lax.axis_index("s")
    wid = s * NC + c
    col0 = wid * COLS_PER_W
    pltpu.sync_copy(idx_hbm.at[:, pl.ds(col0, COLS_PER_W)], idx_v)

    for b in range(NBUF - 2):
        pltpu.async_copy(
            table_hbm.at[idx_v.at[b]],
            big.at[pl.ds(b * COLS_PER_W, COLS_PER_W)], gsems.at[b])

    @pl.loop(0, SEQ)
    def _step(t):
        bsel = lax.rem(t, NBUF)
        nbsel = lax.rem(t + NBUF - 2, NBUF)
        bslc = big.at[pl.ds(bsel * COLS_PER_W, COLS_PER_W)]
        nbslc = big.at[pl.ds(nbsel * COLS_PER_W, COLS_PER_W)]

        @pl.when(t >= 2)
        def _drain():
            pltpu.make_async_copy(
                nbslc, out_hbm.at[0, pl.ds(col0, COLS_PER_W)],
                ssems.at[nbsel]).wait()

        @pl.when(t + NBUF - 2 < SEQ)
        def _lookahead():
            pltpu.async_copy(
                table_hbm.at[idx_v.at[t + NBUF - 2]], nbslc, gsems.at[nbsel])

        pltpu.make_async_copy(
            table_hbm.at[idx_v.at[t]], bslc, gsems.at[bsel]).wait()

        row0 = bsel * COLS_PER_W

        @pl.loop(0, COLS_PER_W)
        def _row(r):
            for seg in range(D // L):
                sl = pl.ds(seg * L, L)
                big[row0 + r, sl] = big[row0 + r, sl] * SCALE

        pltpu.async_copy(
            bslc, out_hbm.at[t, pl.ds(col0, COLS_PER_W)], ssems.at[bsel])

    for t in (SEQ - 2, SEQ - 1):
        pltpu.make_async_copy(
            big.at[pl.ds((t % NBUF) * COLS_PER_W, COLS_PER_W)],
            out_hbm.at[0, pl.ds(col0, COLS_PER_W)],
            ssems.at[t % NBUF]).wait()


@functools.partial(jax.jit, static_argnames=())
def _emb_call(idx_t, table):
    mesh = plsc.VectorSubcoreMesh(core_axis_name="c", subcore_axis_name="s")
    k = pl.kernel(
        _emb_body,
        out_type=jax.ShapeDtypeStruct((SEQ, BATCH, D), jnp.float32),
        mesh=mesh,
        scratch_types=(
            [pltpu.VMEM((SEQ, COLS_PER_W), jnp.int32),
             pltpu.VMEM((NBUF * COLS_PER_W, D), jnp.float32),
             pltpu.SemaphoreType.DMA((NBUF,)),
             pltpu.SemaphoreType.DMA((NBUF,))]
        ),
    )
    return k(table, idx_t)


def kernel(x, table):
    idx_t = x.astype(jnp.int32).T
    out_t = _emb_call(idx_t, table)
    return out_t.transpose(1, 0, 2)

# --- scband reference (transcript-rebuilt; emitter-appended) ---
"""Pipeline reference for scband-embedding-29119878267330 (READ-ONLY COPY).

The authoritative reference and input builder live on the scoring server;
editing this copy changes nothing except your own understanding.
"""

import jax, jax.numpy as jnp
import numpy as np
import math

VOCAB = 100000
D_MODEL = 128

def setup_inputs(seed: int = 0) -> dict:
    key = jax.random.key(seed)
    k1, k2 = jax.random.split(key)
    x = jax.random.randint(k1, (4096, 50), 0, VOCAB, dtype=jnp.int64 if jax.config.jax_enable_x64 else jnp.int32)
    table = jax.random.normal(k2, (VOCAB, D_MODEL), dtype=jnp.float32)
    return {"x": x, "table": table}

def reference(x, table):
    # nn.Embedding lookup followed by scaling by sqrt(d_model)
    emb = jnp.take(table, x, axis=0)
    return emb * math.sqrt(D_MODEL)

if __name__ == "__main__":
    import jax
    _d = setup_inputs()
    print(jax.jit(kernel)(*tuple(_d.values())))

</pallas_src>

<mosaic_0001>
#map = affine_map<(d0, d1) -> (0, 0)>
#map1 = affine_map<(d0, d1) -> (0, 0, 0)>
module attributes {stable_mosaic.version = 14 : i64} {
  func.func @_emb_body(%arg0: i32, %arg1: i32, %arg2: memref<100000x128xf32, #tpu.memory_space<hbm>>, %arg3: memref<50x4096xi32, #tpu.memory_space<hbm>>, %arg4: memref<50x4096x128xf32, #tpu.memory_space<hbm>>, %arg5: memref<50x128xi32, #tpu.memory_space<vmem>>, %arg6: memref<640x128xf32, #tpu.memory_space<vmem>>, %arg7: memref<5x!tpu.dma_semaphore, #tpu.memory_space<semaphore_mem>>, %arg8: memref<5x!tpu.dma_semaphore, #tpu.memory_space<semaphore_mem>>) attributes {dimension_semantics = [#tpu.dimension_semantics<core_parallel>, #tpu.dimension_semantics<subcore_parallel>], iteration_bounds = array<i64: 2, 16>, scalar_prefetch = 0 : i64, scratch_operands = 4 : i64, tpu.core_type = #tpu.core_type<sc_vector_subcore>, window_params = [{transform_indices = #map}, {transform_indices = #map}, {transform_indices = #map1}]} {
    %mul3A = arith.constant 2 : i32
    %mul3A_0 = arith.muli %arg1, %mul3A : i32
    %add3A = arith.addi %mul3A_0, %arg0 : i32
    %mul3A_1 = arith.constant 128 : i32
    %mul3A_2 = arith.muli %add3A, %mul3A_1 : i32
    "tpu.region"() ({
      %run_scoped3A = tpu.sem_alloc : memref<!tpu.dma_semaphore, #tpu.memory_space<semaphore_mem>>
      %dma_start3A_76 = arith.constant 0 : i32
      %dma_start3A_77 = tpu.memref_slice %arg3[%dma_start3A_76, %mul3A_2] : memref<50x4096xi32, #tpu.memory_space<hbm>> -> memref<50x128xi32, #tpu.memory_space<hbm>>
      %dma_start3A_78 = arith.constant 0 : i32
      %dma_start3A_79 = tpu.memref_slice %arg3[%dma_start3A_78, %mul3A_2] : memref<50x4096xi32, #tpu.memory_space<hbm>> -> memref<50x128xi32, #tpu.memory_space<hbm>>
      tpu.enqueue_dma source(%dma_start3A_79 : memref<50x128xi32, #tpu.memory_space<hbm>>) target(%arg5 : memref<50x128xi32, #tpu.memory_space<vmem>>) target_semaphore(%run_scoped3A : memref<!tpu.dma_semaphore, #tpu.memory_space<semaphore_mem>>)
      %dma_wait3A_80 = arith.constant 0 : i32
      %dma_wait3A_81 = tpu.memref_slice %arg3[%dma_wait3A_80, %mul3A_2] : memref<50x4096xi32, #tpu.memory_space<hbm>> -> memref<50x128xi32, #tpu.memory_space<hbm>>
      %dma_wait3A_82 = arith.constant 0 : i32
      %dma_wait3A_83 = tpu.memref_slice %arg3[%dma_wait3A_82, %mul3A_2] : memref<50x4096xi32, #tpu.memory_space<hbm>> -> memref<50x128xi32, #tpu.memory_space<hbm>>
      tpu.wait_dma2 semaphore(%run_scoped3A : memref<!tpu.dma_semaphore, #tpu.memory_space<semaphore_mem>>) src(%dma_wait3A_83 : memref<50x128xi32, #tpu.memory_space<hbm>>) dst(%arg5 : memref<50x128xi32, #tpu.memory_space<vmem>>)
      tpu.yield
    }) : () -> ()
    %dma_start3A = arith.constant 0 : i32
    %dma_start3A_3 = arith.constant 0 : i32
    %dma_start3A_4 = arith.constant 0 : i32
    %dma_start3A_5 = arith.constant 0 : i32
    %dma_start3A_6 = tpu.memref_slice %arg6[%dma_start3A_4, %dma_start3A_5] : memref<640x128xf32, #tpu.memory_space<vmem>> -> memref<128x128xf32, #tpu.memory_space<vmem>>
    %dma_start3A_7 = arith.constant 0 : i32
    %dma_start3A_8 = tpu.memref_slice %arg5[%dma_start3A, %dma_start3A_7] : memref<50x128xi32, #tpu.memory_space<vmem>> -> memref<1x128xi32, #tpu.memory_space<vmem>>
    %dma_start3A_9 = tpu.memref_squeeze %dma_start3A_8 : memref<1x128xi32, #tpu.memory_space<vmem>> -> memref<128xi32, #tpu.memory_space<vmem>>
    %dma_start3A_10 = arith.constant 0 : i32
    %dma_start3A_11 = arith.constant 0 : i32
    %dma_start3A_12 = tpu.memref_slice %arg2[%dma_start3A_10, %dma_start3A_11] : memref<100000x128xf32, #tpu.memory_space<hbm>> -> memref<100000x128xf32, #tpu.memory_space<hbm>>
    %dma_start3A_13 = tpu.memref_slice %arg7[%dma_start3A_3] : memref<5x!tpu.dma_semaphore, #tpu.memory_space<semaphore_mem>> -> memref<1x!tpu.dma_semaphore, #tpu.memory_space<semaphore_mem>>
    %dma_start3A_14 = tpu.memref_squeeze %dma_start3A_13 : memref<1x!tpu.dma_semaphore, #tpu.memory_space<semaphore_mem>> -> memref<!tpu.dma_semaphore, #tpu.memory_space<semaphore_mem>>
    tpu.enqueue_indirect_dma source(%dma_start3A_12 : memref<100000x128xf32, #tpu.memory_space<hbm>>) target(%dma_start3A_6 : memref<128x128xf32, #tpu.memory_space<vmem>>) offsets(%dma_start3A_9 : memref<128xi32, #tpu.memory_space<vmem>>) semaphore(%dma_start3A_14 : memref<!tpu.dma_semaphore, #tpu.memory_space<semaphore_mem>>)
    %dma_start3A_15 = arith.constant 1 : i32
    %dma_start3A_16 = arith.constant 1 : i32
    %dma_start3A_17 = arith.constant 128 : i32
    %dma_start3A_18 = arith.constant 0 : i32
    %dma_start3A_19 = tpu.memref_slice %arg6[%dma_start3A_17, %dma_start3A_18] : memref<640x128xf32, #tpu.memory_space<vmem>> -> memref<128x128xf32, #tpu.memory_space<vmem>>
    %dma_start3A_20 = arith.constant 0 : i32
    %dma_start3A_21 = tpu.memref_slice %arg5[%dma_start3A_15, %dma_start3A_20] : memref<50x128xi32, #tpu.memory_space<vmem>> -> memref<1x128xi32, #tpu.memory_space<vmem>>
    %dma_start3A_22 = tpu.memref_squeeze %dma_start3A_21 : memref<1x128xi32, #tpu.memory_space<vmem>> -> memref<128xi32, #tpu.memory_space<vmem>>
    %dma_start3A_23 = arith.constant 0 : i32
    %dma_start3A_24 = arith.constant 0 : i32
    %dma_start3A_25 = tpu.memref_slice %arg2[%dma_start3A_23, %dma_start3A_24] : memref<100000x128xf32, #tpu.memory_space<hbm>> -> memref<100000x128xf32, #tpu.memory_space<hbm>>
    %dma_start3A_26 = tpu.memref_slice %arg7[%dma_start3A_16] : memref<5x!tpu.dma_semaphore, #tpu.memory_space<semaphore_mem>> -> memref<1x!tpu.dma_semaphore, #tpu.memory_space<semaphore_mem>>
    %dma_start3A_27 = tpu.memref_squeeze %dma_start3A_26 : memref<1x!tpu.dma_semaphore, #tpu.memory_space<semaphore_mem>> -> memref<!tpu.dma_semaphore, #tpu.memory_space<semaphore_mem>>
    tpu.enqueue_indirect_dma source(%dma_start3A_25 : memref<100000x128xf32, #tpu.memory_space<hbm>>) target(%dma_start3A_19 : memref<128x128xf32, #tpu.memory_space<vmem>>) offsets(%dma_start3A_22 : memref<128xi32, #tpu.memory_space<vmem>>) semaphore(%dma_start3A_27 : memref<!tpu.dma_semaphore, #tpu.memory_space<semaphore_mem>>)
    %dma_start3A_28 = arith.constant 2 : i32
    %dma_start3A_29 = arith.constant 2 : i32
    %dma_start3A_30 = arith.constant 256 : i32
    %dma_start3A_31 = arith.constant 0 : i32
    %dma_start3A_32 = tpu.memref_slice %arg6[%dma_start3A_30, %dma_start3A_31] : memref<640x128xf32, #tpu.memory_space<vmem>> -> memref<128x128xf32, #tpu.memory_space<vmem>>
    %dma_start3A_33 = arith.constant 0 : i32
    %dma_start3A_34 = tpu.memref_slice %arg5[%dma_start3A_28, %dma_start3A_33] : memref<50x128xi32, #tpu.memory_space<vmem>> -> memref<1x128xi32, #tpu.memory_space<vmem>>
    %dma_start3A_35 = tpu.memref_squeeze %dma_start3A_34 : memref<1x128xi32, #tpu.memory_space<vmem>> -> memref<128xi32, #tpu.memory_space<vmem>>
    %dma_start3A_36 = arith.constant 0 : i32
    %dma_start3A_37 = arith.constant 0 : i32
    %dma_start3A_38 = tpu.memref_slice %arg2[%dma_start3A_36, %dma_start3A_37] : memref<100000x128xf32, #tpu.memory_space<hbm>> -> memref<100000x128xf32, #tpu.memory_space<hbm>>
    %dma_start3A_39 = tpu.memref_slice %arg7[%dma_start3A_29] : memref<5x!tpu.dma_semaphore, #tpu.memory_space<semaphore_mem>> -> memref<1x!tpu.dma_semaphore, #tpu.memory_space<semaphore_mem>>
    %dma_start3A_40 = tpu.memref_squeeze %dma_start3A_39 : memref<1x!tpu.dma_semaphore, #tpu.memory_space<semaphore_mem>> -> memref<!tpu.dma_semaphore, #tpu.memory_space<semaphore_mem>>
    tpu.enqueue_indirect_dma source(%dma_start3A_38 : memref<100000x128xf32, #tpu.memory_space<hbm>>) target(%dma_start3A_32 : memref<128x128xf32, #tpu.memory_space<vmem>>) offsets(%dma_start3A_35 : memref<128xi32, #tpu.memory_space<vmem>>) semaphore(%dma_start3A_40 : memref<!tpu.dma_semaphore, #tpu.memory_space<semaphore_mem>>)
    %scan3A = arith.constant 0 : i32
    %scan3A_41 = arith.constant 50 : i32
    %scan3A_42 = arith.addi %scan3A, %scan3A_41 : i32
    %scan3A_43 = arith.constant 1 : i32
    scf.for %scan3A_76 = %scan3A to %scan3A_42 step %scan3A_43  : i32 {
      %mul3A_77 = arith.constant 1 : i32
      %mul3A_78 = arith.muli %scan3A_76, %mul3A_77 : i32
      %add3A_79 = arith.constant 0 : i32
      %add3A_80 = arith.addi %add3A_79, %mul3A_78 : i32
      %rem3A = arith.constant 5 : i32
      %rem3A_81 = arith.remsi %add3A_80, %rem3A : i32
      %add3A_82 = arith.constant 5 : i32
      %add3A_83 = arith.addi %add3A_80, %add3A_82 : i32
      %sub3A = arith.constant 2 : i32
      %sub3A_84 = arith.subi %add3A_83, %sub3A : i32
      %rem3A_85 = arith.constant 5 : i32
      %rem3A_86 = arith.remsi %sub3A_84, %rem3A_85 : i32
      %mul3A_87 = arith.constant 128 : i32
      %mul3A_88 = arith.muli %rem3A_81, %mul3A_87 : i32
      %mul3A_89 = arith.constant 128 : i32
      %mul3A_90 = arith.muli %rem3A_86, %mul3A_89 : i32
      %ge3A = arith.constant 2 : i32
      %ge3A_91 = arith.cmpi sge, %add3A_80, %ge3A : i32
      %convert_element_type3A = arith.extui %ge3A_91 : i1 to i32
      %cond3A = arith.constant 0 : i32
      %cond3A_92 = arith.cmpi ne, %convert_element_type3A, %cond3A : i32
      scf.if %cond3A_92 {
        %dma_wait3A_130 = arith.constant 0 : i32
        %dma_wait3A_131 = arith.constant 0 : i32
        %dma_wait3A_132 = tpu.memref_slice %arg6[%mul3A_90, %dma_wait3A_131] : memref<640x128xf32, #tpu.memory_space<vmem>> -> memref<128x128xf32, #tpu.memory_space<vmem>>
        %dma_wait3A_133 = arith.constant 0 : i32
        %dma_wait3A_134 = tpu.memref_slice %arg4[%dma_wait3A_130, %mul3A_2, %dma_wait3A_133] : memref<50x4096x128xf32, #tpu.memory_space<hbm>> -> memref<1x128x128xf32, #tpu.memory_space<hbm>>
        %dma_wait3A_135 = tpu.memref_squeeze %dma_wait3A_134 : memref<1x128x128xf32, #tpu.memory_space<hbm>> -> memref<128x128xf32, #tpu.memory_space<hbm>>
        %dma_wait3A_136 = tpu.memref_slice %arg8[%rem3A_86] : memref<5x!tpu.dma_semaphore, #tpu.memory_space<semaphore_mem>> -> memref<1x!tpu.dma_semaphore, #tpu.memory_space<semaphore_mem>>
        %dma_wait3A_137 = tpu.memref_squeeze %dma_wait3A_136 : memref<1x!tpu.dma_semaphore, #tpu.memory_space<semaphore_mem>> -> memref<!tpu.dma_semaphore, #tpu.memory_space<semaphore_mem>>
        %dma_wait3A_138 = arith.constant 0 : i32
        %dma_wait3A_139 = tpu.memref_slice %arg4[%dma_wait3A_130, %mul3A_2, %dma_wait3A_138] : memref<50x4096x128xf32, #tpu.memory_space<hbm>> -> memref<1x128x128xf32, #tpu.memory_space<hbm>>
        %dma_wait3A_140 = tpu.memref_squeeze %dma_wait3A_139 : memref<1x128x128xf32, #tpu.memory_space<hbm>> -> memref<128x128xf32, #tpu.memory_space<hbm>>
        %dma_wait3A_141 = arith.constant 0 : i32
        %dma_wait3A_142 = tpu.memref_slice %arg6[%mul3A_90, %dma_wait3A_141] : memref<640x128xf32, #tpu.memory_space<vmem>> -> memref<128x128xf32, #tpu.memory_space<vmem>>
        tpu.wait_dma2 semaphore(%dma_wait3A_137 : memref<!tpu.dma_semaphore, #tpu.memory_space<semaphore_mem>>) src(%dma_wait3A_142 : memref<128x128xf32, #tpu.memory_space<vmem>>) dst(%dma_wait3A_140 : memref<128x128xf32, #tpu.memory_space<hbm>>)
      } else {
      }
      %add3A_93 = arith.constant 5 : i32
      %add3A_94 = arith.addi %add3A_80, %add3A_93 : i32
      %sub3A_95 = arith.constant 2 : i32
      %sub3A_96 = arith.subi %add3A_94, %sub3A_95 : i32
      %lt3A = arith.constant 50 : i32
      %lt3A_97 = arith.cmpi slt, %sub3A_96, %lt3A : i32
      %convert_element_type3A_98 = arith.extui %lt3A_97 : i1 to i32
      %cond3A_99 = arith.constant 0 : i32
      %cond3A_100 = arith.cmpi ne, %convert_element_type3A_98, %cond3A_99 : i32
      scf.if %cond3A_100 {
        %add3A_130 = arith.constant 5 : i32
        %add3A_131 = arith.addi %add3A_80, %add3A_130 : i32
        %sub3A_132 = arith.constant 2 : i32
        %sub3A_133 = arith.subi %add3A_131, %sub3A_132 : i32
        %dma_start3A_134 = arith.constant 0 : i32
        %dma_start3A_135 = tpu.memref_slice %arg6[%mul3A_90, %dma_start3A_134] : memref<640x128xf32, #tpu.memory_space<vmem>> -> memref<128x128xf32, #tpu.memory_space<vmem>>
        %dma_start3A_136 = arith.constant 0 : i32
        %dma_start3A_137 = tpu.memref_slice %arg5[%sub3A_133, %dma_start3A_136] : memref<50x128xi32, #tpu.memory_space<vmem>> -> memref<1x128xi32, #tpu.memory_space<vmem>>
        %dma_start3A_138 = tpu.memref_squeeze %dma_start3A_137 : memref<1x128xi32, #tpu.memory_space<vmem>> -> memref<128xi32, #tpu.memory_space<vmem>>
        %dma_start3A_139 = arith.constant 0 : i32
        %dma_start3A_140 = arith.constant 0 : i32
        %dma_start3A_141 = tpu.memref_slice %arg2[%dma_start3A_139, %dma_start3A_140] : memref<100000x128xf32, #tpu.memory_space<hbm>> -> memref<100000x128xf32, #tpu.memory_space<hbm>>
        %dma_start3A_142 = tpu.memref_slice %arg7[%rem3A_86] : memref<5x!tpu.dma_semaphore, #tpu.memory_space<semaphore_mem>> -> memref<1x!tpu.dma_semaphore, #tpu.memory_space<semaphore_mem>>
        %dma_start3A_143 = tpu.memref_squeeze %dma_start3A_142 : memref<1x!tpu.dma_semaphore, #tpu.memory_space<semaphore_mem>> -> memref<!tpu.dma_semaphore, #tpu.memory_space<semaphore_mem>>
        tpu.enqueue_indirect_dma source(%dma_start3A_141 : memref<100000x128xf32, #tpu.memory_space<hbm>>) target(%dma_start3A_135 : memref<128x128xf32, #tpu.memory_space<vmem>>) offsets(%dma_start3A_138 : memref<128xi32, #tpu.memory_space<vmem>>) semaphore(%dma_start3A_143 : memref<!tpu.dma_semaphore, #tpu.memory_space<semaphore_mem>>)
      } else {
      }
      %dma_wait3A_101 = arith.constant 0 : i32
      %dma_wait3A_102 = tpu.memref_slice %arg6[%mul3A_88, %dma_wait3A_101] : memref<640x128xf32, #tpu.memory_space<vmem>> -> memref<128x128xf32, #tpu.memory_space<vmem>>
      %dma_wait3A_103 = arith.constant 0 : i32
      %dma_wait3A_104 = tpu.memref_slice %arg5[%add3A_80, %dma_wait3A_103] : memref<50x128xi32, #tpu.memory_space<vmem>> -> memref<1x128xi32, #tpu.memory_space<vmem>>
      %dma_wait3A_105 = tpu.memref_squeeze %dma_wait3A_104 : memref<1x128xi32, #tpu.memory_space<vmem>> -> memref<128xi32, #tpu.memory_space<vmem>>
      %dma_wait3A_106 = arith.constant 0 : i32
      %dma_wait3A_107 = arith.constant 0 : i32
      %dma_wait3A_108 = tpu.memref_slice %arg2[%dma_wait3A_106, %dma_wait3A_107] : memref<100000x128xf32, #tpu.memory_space<hbm>> -> memref<100000x128xf32, #tpu.memory_space<hbm>>
      %dma_wait3A_109 = tpu.memref_slice %arg7[%rem3A_81] : memref<5x!tpu.dma_semaphore, #tpu.memory_space<semaphore_mem>> -> memref<1x!tpu.dma_semaphore, #tpu.memory_space<semaphore_mem>>
      %dma_wait3A_110 = tpu.memref_squeeze %dma_wait3A_109 : memref<1x!tpu.dma_semaphore, #tpu.memory_space<semaphore_mem>> -> memref<!tpu.dma_semaphore, #tpu.memory_space<semaphore_mem>>
      tpu.wait_indirect_dma semaphore(%dma_wait3A_110 : memref<!tpu.dma_semaphore, #tpu.memory_space<semaphore_mem>>) src(%dma_wait3A_108 : memref<100000x128xf32, #tpu.memory_space<hbm>>) dst(%dma_wait3A_102 : memref<128x128xf32, #tpu.memory_space<vmem>>)
      %mul3A_111 = arith.constant 128 : i32
      %mul3A_112 = arith.muli %rem3A_81, %mul3A_111 : i32
      %scan3A_113 = arith.constant 0 : i32
      %scan3A_114 = arith.constant 128 : i32
      %scan3A_115 = arith.addi %scan3A_113, %scan3A_114 : i32
      %scan3A_116 = arith.constant 1 : i32
      scf.for %scan3A_130 = %scan3A_113 to %scan3A_115 step %scan3A_116  : i32 {
        %mul3A_131 = arith.constant 1 : i32
        %mul3A_132 = arith.muli %scan3A_130, %mul3A_131 : i32
        %add3A_133 = arith.constant 0 : i32
        %add3A_134 = arith.addi %add3A_133, %mul3A_132 : i32
        %add3A_135 = arith.addi %mul3A_112, %add3A_134 : i32
        %get3A = arith.index_cast %add3A_135 : i32 to index
        %get3A_136 = arith.constant 0 : index
        %get3A_137 = tpu.vector_load %arg6[%get3A, %get3A_136] {strides = array<i32>} : memref<640x128xf32, #tpu.memory_space<vmem>>, vector<1x16xf32>,
        %get3A_138 = vector.shape_cast %get3A_137 : vector<1x16xf32> to vector<16xf32>
        %mul3A_139 = arith.constant 11.3137083 : f32
        %mul3A_140 = vector.broadcast %mul3A_139 : f32 to vector<16xf32>
        %mul3A_141 = arith.mulf %get3A_138, %mul3A_140 : vector<16xf32>
        %add3A_142 = arith.addi %mul3A_112, %add3A_134 : i32
        %swap3A = arith.index_cast %add3A_142 : i32 to index
        %swap3A_143 = arith.constant 0 : index
        %swap3A_144 = tpu.vector_load %arg6[%swap3A, %swap3A_143] {strides = array<i32>} : memref<640x128xf32, #tpu.memory_space<vmem>>, vector<1x16xf32>,
        %swap3A_145 = vector.shape_cast %swap3A_144 : vector<1x16xf32> to vector<16xf32>
        %swap3A_146 = vector.shape_cast %mul3A_141 : vector<16xf32> to vector<1x16xf32>
        tpu.vector_store %arg6[%swap3A, %swap3A_143], %swap3A_146 {strides = array<i32>} : memref<640x128xf32, #tpu.memory_space<vmem>>, vector<1x16xf32>,
        %add3A_147 = arith.addi %mul3A_112, %add3A_134 : i32
        %get3A_148 = arith.index_cast %add3A_147 : i32 to index
        %get3A_149 = arith.constant 16 : index
        %get3A_150 = tpu.vector_load %arg6[%get3A_148, %get3A_149] {strides = array<i32>} : memref<640x128xf32, #tpu.memory_space<vmem>>, vector<1x16xf32>,
        %get3A_151 = vector.shape_cast %get3A_150 : vector<1x16xf32> to vector<16xf32>
        %mul3A_152 = arith.constant 11.3137083 : f32
        %mul3A_153 = vector.broadcast %mul3A_152 : f32 to vector<16xf32>
        %mul3A_154 = arith.mulf %get3A_151, %mul3A_153 : vector<16xf32>
        %add3A_155 = arith.addi %mul3A_112, %add3A_134 : i32
        %swap3A_156 = arith.index_cast %add3A_155 : i32 to index
        %swap3A_157 = arith.constant 16 : index
        %swap3A_158 = tpu.vector_load %arg6[%swap3A_156, %swap3A_157] {strides = array<i32>} : memref<640x128xf32, #tpu.memory_space<vmem>>, vector<1x16xf32>,
        %swap3A_159 = vector.shape_cast %swap3A_158 : vector<1x16xf32> to vector<16xf32>
        %swap3A_160 = vector.shape_cast %mul3A_154 : vector<16xf32> to vector<1x16xf32>
        tpu.vector_store %arg6[%swap3A_156, %swap3A_157], %swap3A_160 {strides = array<i32>} : memref<640x128xf32, #tpu.memory_space<vmem>>, vector<1x16xf32>,
        %add3A_161 = arith.addi %mul3A_112, %add3A_134 : i32
        %get3A_162 = arith.index_cast %add3A_161 : i32 to index
        %get3A_163 = arith.constant 32 : index
        %get3A_164 = tpu.vector_load %arg6[%get3A_162, %get3A_163] {strides = array<i32>} : memref<640x128xf32, #tpu.memory_space<vmem>>, vector<1x16xf32>,
        %get3A_165 = vector.shape_cast %get3A_164 : vector<1x16xf32> to vector<16xf32>
        %mul3A_166 = arith.constant 11.3137083 : f32
        %mul3A_167 = vector.broadcast %mul3A_166 : f32 to vector<16xf32>
        %mul3A_168 = arith.mulf %get3A_165, %mul3A_167 : vector<16xf32>
        %add3A_169 = arith.addi %mul3A_112, %add3A_134 : i32
        %swap3A_170 = arith.index_cast %add3A_169 : i32 to index
        %swap3A_171 = arith.constant 32 : index
        %swap3A_172 = tpu.vector_load %arg6[%swap3A_170, %swap3A_171] {strides = array<i32>} : memref<640x128xf32, #tpu.memory_space<vmem>>, vector<1x16xf32>,
        %swap3A_173 = vector.shape_cast %swap3A_172 : vector<1x16xf32> to vector<16xf32>
        %swap3A_174 = vector.shape_cast %mul3A_168 : vector<16xf32> to vector<1x16xf32>
        tpu.vector_store %arg6[%swap3A_170, %swap3A_171], %swap3A_174 {strides = array<i32>} : memref<640x128xf32, #tpu.memory_space<vmem>>, vector<1x16xf32>,
        %add3A_175 = arith.addi %mul3A_112, %add3A_134 : i32
        %get3A_176 = arith.index_cast %add3A_175 : i32 to index
        %get3A_177 = arith.constant 48 : index
        %get3A_178 = tpu.vector_load %arg6[%get3A_176, %get3A_177] {strides = array<i32>} : memref<640x128xf32, #tpu.memory_space<vmem>>, vector<1x16xf32>,
        %get3A_179 = vector.shape_cast %get3A_178 : vector<1x16xf32> to vector<16xf32>
        %mul3A_180 = arith.constant 11.3137083 : f32
        %mul3A_181 = vector.broadcast %mul3A_180 : f32 to vector<16xf32>
        %mul3A_182 = arith.mulf %get3A_179, %mul3A_181 : vector<16xf32>
        %add3A_183 = arith.addi %mul3A_112, %add3A_134 : i32
        %swap3A_184 = arith.index_cast %add3A_183 : i32 to index
        %swap3A_185 = arith.constant 48 : index
        %swap3A_186 = tpu.vector_load %arg6[%swap3A_184, %swap3A_185] {strides = array<i32>} : memref<640x128xf32, #tpu.memory_space<vmem>>, vector<1x16xf32>,
        %swap3A_187 = vector.shape_cast %swap3A_186 : vector<1x16xf32> to vector<16xf32>
        %swap3A_188 = vector.shape_cast %mul3A_182 : vector<16xf32> to vector<1x16xf32>
        tpu.vector_store %arg6[%swap3A_184, %swap3A_185], %swap3A_188 {strides = array<i32>} : memref<640x128xf32, #tpu.memory_space<vmem>>, vector<1x16xf32>,
        %add3A_189 = arith.addi %mul3A_112, %add3A_134 : i32
        %get3A_190 = arith.index_cast %add3A_189 : i32 to index
        %get3A_191 = arith.constant 64 : index
        %get3A_192 = tpu.vector_load %arg6[%get3A_190, %get3A_191] {strides = array<i32>} : memref<640x128xf32, #tpu.memory_space<vmem>>, vector<1x16xf32>,
        %get3A_193 = vector.shape_cast %get3A_192 : vector<1x16xf32> to vector<16xf32>
        %mul3A_194 = arith.constant 11.3137083 : f32
        %mul3A_195 = vector.broadcast %mul3A_194 : f32 to vector<16xf32>
        %mul3A_196 = arith.mulf %get3A_193, %mul3A_195 : vector<16xf32>
        %add3A_197 = arith.addi %mul3A_112, %add3A_134 : i32
        %swap3A_198 = arith.index_cast %add3A_197 : i32 to index
        %swap3A_199 = arith.constant 64 : index
        %swap3A_200 = tpu.vector_load %arg6[%swap3A_198, %swap3A_199] {strides = array<i32>} : memref<640x128xf32, #tpu.memory_space<vmem>>, vector<1x16xf32>,
        %swap3A_201 = vector.shape_cast %swap3A_200 : vector<1x16xf32> to vector<16xf32>
        %swap3A_202 = vector.shape_cast %mul3A_196 : vector<16xf32> to vector<1x16xf32>
        tpu.vector_store %arg6[%swap3A_198, %swap3A_199], %swap3A_202 {strides = array<i32>} : memref<640x128xf32, #tpu.memory_space<vmem>>, vector<1x16xf32>,
        %add3A_203 = arith.addi %mul3A_112, %add3A_134 : i32
        %get3A_204 = arith.index_cast %add3A_203 : i32 to index
        %get3A_205 = arith.constant 80 : index
        %get3A_206 = tpu.vector_load %arg6[%get3A_204, %get3A_205] {strides = array<i32>} : memref<640x128xf32, #tpu.memory_space<vmem>>, vector<1x16xf32>,
        %get3A_207 = vector.shape_cast %get3A_206 : vector<1x16xf32> to vector<16xf32>
        %mul3A_208 = arith.constant 11.3137083 : f32
        %mul3A_209 = vector.broadcast %mul3A_208 : f32 to vector<16xf32>
        %mul3A_210 = arith.mulf %get3A_207, %mul3A_209 : vector<16xf32>
        %add3A_211 = arith.addi %mul3A_112, %add3A_134 : i32
        %swap3A_212 = arith.index_cast %add3A_211 : i32 to index
        %swap3A_213 = arith.constant 80 : index
        %swap3A_214 = tpu.vector_load %arg6[%swap3A_212, %swap3A_213] {strides = array<i32>} : memref<640x128xf32, #tpu.memory_space<vmem>>, vector<1x16xf32>,
        %swap3A_215 = vector.shape_cast %swap3A_214 : vector<1x16xf32> to vector<16xf32>
        %swap3A_216 = vector.shape_cast %mul3A_210 : vector<16xf32> to vector<1x16xf32>
        tpu.vector_store %arg6[%swap3A_212, %swap3A_213], %swap3A_216 {strides = array<i32>} : memref<640x128xf32, #tpu.memory_space<vmem>>, vector<1x16xf32>,
        %add3A_217 = arith.addi %mul3A_112, %add3A_134 : i32
        %get3A_218 = arith.index_cast %add3A_217 : i32 to index
        %get3A_219 = arith.constant 96 : index
        %get3A_220 = tpu.vector_load %arg6[%get3A_218, %get3A_219] {strides = array<i32>} : memref<640x128xf32, #tpu.memory_space<vmem>>, vector<1x16xf32>,
        %get3A_221 = vector.shape_cast %get3A_220 : vector<1x16xf32> to vector<16xf32>
        %mul3A_222 = arith.constant 11.3137083 : f32
        %mul3A_223 = vector.broadcast %mul3A_222 : f32 to vector<16xf32>
        %mul3A_224 = arith.mulf %get3A_221, %mul3A_223 : vector<16xf32>
        %add3A_225 = arith.addi %mul3A_112, %add3A_134 : i32
        %swap3A_226 = arith.index_cast %add3A_225 : i32 to index
        %swap3A_227 = arith.constant 96 : index
        %swap3A_228 = tpu.vector_load %arg6[%swap3A_226, %swap3A_227] {strides = array<i32>} : memref<640x128xf32, #tpu.memory_space<vmem>>, vector<1x16xf32>,
        %swap3A_229 = vector.shape_cast %swap3A_228 : vector<1x16xf32> to vector<16xf32>
        %swap3A_230 = vector.shape_cast %mul3A_224 : vector<16xf32> to vector<1x16xf32>
        tpu.vector_store %arg6[%swap3A_226, %swap3A_227], %swap3A_230 {strides = array<i32>} : memref<640x128xf32, #tpu.memory_space<vmem>>, vector<1x16xf32>,
        %add3A_231 = arith.addi %mul3A_112, %add3A_134 : i32
        %get3A_232 = arith.index_cast %add3A_231 : i32 to index
        %get3A_233 = arith.constant 112 : index
        %get3A_234 = tpu.vector_load %arg6[%get3A_232, %get3A_233] {strides = array<i32>} : memref<640x128xf32, #tpu.memory_space<vmem>>, vector<1x16xf32>,
        %get3A_235 = vector.shape_cast %get3A_234 : vector<1x16xf32> to vector<16xf32>
        %mul3A_236 = arith.constant 11.3137083 : f32
        %mul3A_237 = vector.broadcast %mul3A_236 : f32 to vector<16xf32>
        %mul3A_238 = arith.mulf %get3A_235, %mul3A_237 : vector<16xf32>
        %add3A_239 = arith.addi %mul3A_112, %add3A_134 : i32
        %swap3A_240 = arith.index_cast %add3A_239 : i32 to index
        %swap3A_241 = arith.constant 112 : index
        %swap3A_242 = tpu.vector_load %arg6[%swap3A_240, %swap3A_241] {strides = array<i32>} : memref<640x128xf32, #tpu.memory_space<vmem>>, vector<1x16xf32>,
        %swap3A_243 = vector.shape_cast %swap3A_242 : vector<1x16xf32> to vector<16xf32>
        %swap3A_244 = vector.shape_cast %mul3A_238 : vector<16xf32> to vector<1x16xf32>
        tpu.vector_store %arg6[%swap3A_240, %swap3A_241], %swap3A_244 {strides = array<i32>} : memref<640x128xf32, #tpu.memory_space<vmem>>, vector<1x16xf32>,
      }
      %scan3A_117 = arith.constant 128 : i32
      %dma_start3A_118 = arith.constant 0 : i32
      %dma_start3A_119 = tpu.memref_slice %arg6[%mul3A_88, %dma_start3A_118] : memref<640x128xf32, #tpu.memory_space<vmem>> -> memref<128x128xf32, #tpu.memory_space<vmem>>
      %dma_start3A_120 = arith.constant 0 : i32
      %dma_start3A_121 = tpu.memref_slice %arg4[%add3A_80, %mul3A_2, %dma_start3A_120] : memref<50x4096x128xf32, #tpu.memory_space<hbm>> -> memref<1x128x128xf32, #tpu.memory_space<hbm>>
      %dma_start3A_122 = tpu.memref_squeeze %dma_start3A_121 : memref<1x128x128xf32, #tpu.memory_space<hbm>> -> memref<128x128xf32, #tpu.memory_space<hbm>>
      %dma_start3A_123 = tpu.memref_slice %arg8[%rem3A_81] : memref<5x!tpu.dma_semaphore, #tpu.memory_space<semaphore_mem>> -> memref<1x!tpu.dma_semaphore, #tpu.memory_space<semaphore_mem>>
      %dma_start3A_124 = tpu.memref_squeeze %dma_start3A_123 : memref<1x!tpu.dma_semaphore, #tpu.memory_space<semaphore_mem>> -> memref<!tpu.dma_semaphore, #tpu.memory_space<semaphore_mem>>
      %dma_start3A_125 = arith.constant 0 : i32
      %dma_start3A_126 = tpu.memref_slice %arg4[%add3A_80, %mul3A_2, %dma_start3A_125] : memref<50x4096x128xf32, #tpu.memory_space<hbm>> -> memref<1x128x128xf32, #tpu.memory_space<hbm>>
      %dma_start3A_127 = tpu.memref_squeeze %dma_start3A_126 : memref<1x128x128xf32, #tpu.memory_space<hbm>> -> memref<128x128xf32, #tpu.memory_space<hbm>>
      %dma_start3A_128 = arith.constant 0 : i32
      %dma_start3A_129 = tpu.memref_slice %arg6[%mul3A_88, %dma_start3A_128] : memref<640x128xf32, #tpu.memory_space<vmem>> -> memref<128x128xf32, #tpu.memory_space<vmem>>
      tpu.enqueue_dma source(%dma_start3A_129 : memref<128x128xf32, #tpu.memory_space<vmem>>) target(%dma_start3A_127 : memref<128x128xf32, #tpu.memory_space<hbm>>) target_semaphore(%dma_start3A_124 : memref<!tpu.dma_semaphore, #tpu.memory_space<semaphore_mem>>)
    }
    %scan3A_44 = arith.constant 50 : i32
    %dma_wait3A = arith.constant 0 : i32
    %dma_wait3A_45 = arith.constant 3 : i32
    %dma_wait3A_46 = arith.constant 384 : i32
    %dma_wait3A_47 = arith.constant 0 : i32
    %dma_wait3A_48 = tpu.memref_slice %arg6[%dma_wait3A_46, %dma_wait3A_47] : memref<640x128xf32, #tpu.memory_space<vmem>> -> memref<128x128xf32, #tpu.memory_space<vmem>>
    %dma_wait3A_49 = arith.constant 0 : i32
    %dma_wait3A_50 = tpu.memref_slice %arg4[%dma_wait3A, %mul3A_2, %dma_wait3A_49] : memref<50x4096x128xf32, #tpu.memory_space<hbm>> -> memref<1x128x128xf32, #tpu.memory_space<hbm>>
    %dma_wait3A_51 = tpu.memref_squeeze %dma_wait3A_50 : memref<1x128x128xf32, #tpu.memory_space<hbm>> -> memref<128x128xf32, #tpu.memory_space<hbm>>
    %dma_wait3A_52 = tpu.memref_slice %arg8[%dma_wait3A_45] : memref<5x!tpu.dma_semaphore, #tpu.memory_space<semaphore_mem>> -> memref<1x!tpu.dma_semaphore, #tpu.memory_space<semaphore_mem>>
    %dma_wait3A_53 = tpu.memref_squeeze %dma_wait3A_52 : memref<1x!tpu.dma_semaphore, #tpu.memory_space<semaphore_mem>> -> memref<!tpu.dma_semaphore, #tpu.memory_space<semaphore_mem>>
    %dma_wait3A_54 = arith.constant 0 : i32
    %dma_wait3A_55 = tpu.memref_slice %arg4[%dma_wait3A, %mul3A_2, %dma_wait3A_54] : memref<50x4096x128xf32, #tpu.memory_space<hbm>> -> memref<1x128x128xf32, #tpu.memory_space<hbm>>
    %dma_wait3A_56 = tpu.memref_squeeze %dma_wait3A_55 : memref<1x128x128xf32, #tpu.memory_space<hbm>> -> memref<128x128xf32, #tpu.memory_space<hbm>>
    %dma_wait3A_57 = arith.constant 384 : i32
    %dma_wait3A_58 = arith.constant 0 : i32
    %dma_wait3A_59 = tpu.memref_slice %arg6[%dma_wait3A_57, %dma_wait3A_58] : memref<640x128xf32, #tpu.memory_space<vmem>> -> memref<128x128xf32, #tpu.memory_space<vmem>>
    tpu.wait_dma2 semaphore(%dma_wait3A_53 : memref<!tpu.dma_semaphore, #tpu.memory_space<semaphore_mem>>) src(%dma_wait3A_59 : memref<128x128xf32, #tpu.memory_space<vmem>>) dst(%dma_wait3A_56 : memref<128x128xf32, #tpu.memory_space<hbm>>)
    %dma_wait3A_60 = arith.constant 0 : i32
    %dma_wait3A_61 = arith.constant 4 : i32
    %dma_wait3A_62 = arith.constant 512 : i32
    %dma_wait3A_63 = arith.constant 0 : i32
    %dma_wait3A_64 = tpu.memref_slice %arg6[%dma_wait3A_62, %dma_wait3A_63] : memref<640x128xf32, #tpu.memory_space<vmem>> -> memref<128x128xf32, #tpu.memory_space<vmem>>
    %dma_wait3A_65 = arith.constant 0 : i32
    %dma_wait3A_66 = tpu.memref_slice %arg4[%dma_wait3A_60, %mul3A_2, %dma_wait3A_65] : memref<50x4096x128xf32, #tpu.memory_space<hbm>> -> memref<1x128x128xf32, #tpu.memory_space<hbm>>
    %dma_wait3A_67 = tpu.memref_squeeze %dma_wait3A_66 : memref<1x128x128xf32, #tpu.memory_space<hbm>> -> memref<128x128xf32, #tpu.memory_space<hbm>>
    %dma_wait3A_68 = tpu.memref_slice %arg8[%dma_wait3A_61] : memref<5x!tpu.dma_semaphore, #tpu.memory_space<semaphore_mem>> -> memref<1x!tpu.dma_semaphore, #tpu.memory_space<semaphore_mem>>
    %dma_wait3A_69 = tpu.memref_squeeze %dma_wait3A_68 : memref<1x!tpu.dma_semaphore, #tpu.memory_space<semaphore_mem>> -> memref<!tpu.dma_semaphore, #tpu.memory_space<semaphore_mem>>
    %dma_wait3A_70 = arith.constant 0 : i32
    %dma_wait3A_71 = tpu.memref_slice %arg4[%dma_wait3A_60, %mul3A_2, %dma_wait3A_70] : memref<50x4096x128xf32, #tpu.memory_space<hbm>> -> memref<1x128x128xf32, #tpu.memory_space<hbm>>
    %dma_wait3A_72 = tpu.memref_squeeze %dma_wait3A_71 : memref<1x128x128xf32, #tpu.memory_space<hbm>> -> memref<128x128xf32, #tpu.memory_space<hbm>>
    %dma_wait3A_73 = arith.constant 512 : i32
    %dma_wait3A_74 = arith.constant 0 : i32
    %dma_wait3A_75 = tpu.memref_slice %arg6[%dma_wait3A_73, %dma_wait3A_74] : memref<640x128xf32, #tpu.memory_space<vmem>> -> memref<128x128xf32, #tpu.memory_space<vmem>>
    tpu.wait_dma2 semaphore(%dma_wait3A_69 : memref<!tpu.dma_semaphore, #tpu.memory_space<semaphore_mem>>) src(%dma_wait3A_75 : memref<128x128xf32, #tpu.memory_space<vmem>>) dst(%dma_wait3A_72 : memref<128x128xf32, #tpu.memory_space<hbm>>)
    return
  }
}

</mosaic_0001>

<sc_bundles>
// kernel: _emb_call.3.cloned.1.call-start
scs
__scs_entry_jumppad:
0x0: {  	(pc) =	sbr.rel $0x88, $3  }
0x1: {  	(tag) =	ssettag $0x0;
	lr =	simm.s32 $0x1  }
0x2: {  	[smem:$0x3F9F] =	sst lr;
	_ =	strace $0xD0000000  }
0x3: {  	_ = 	snop  }
0x4: {  	_ = 	snop  }
0x5: {  	_ = 	snop  }
0x6: {  	_ = 	snop  }
0x7: {  	_ = 	snop  }
__scs_overlays_trampoline_lowered:
0x8: {  	[smem:$0x3FAE] =	sst s0  }
0x9: {  	[smem:$0x3FAF] =	sst s1  }
0xa: {  	[smem:$0x3FB0] =	sst s2  }
0xb: {  	[smem:$0x3FB1] =	sst s3  }
0xc: {  	[smem:$0x3FB2] =	sst s4  }
0xd: {  	[smem:$0x3FB3] =	sst s5  }
0xe: {  	[smem:$0x3FB4] =	sst s6  }
0xf: {  	[smem:$0x3FB5] =	sst s7  }
0x10: {  	[smem:$0x3FB6] =	sst s8  }
0x11: {  	[smem:$0x3FB7] =	sst s9;
	s0 =	simm.s32 @!p0 $0x0  }
0x12: {  	s1 =	sld [smem:$0x3F9D];
	s0 =	simm.s32 @p0 $0x1  }
0x13: {  	[smem:$0x3FB8] =	sst s0;
	s0 =	simm.s32 @!p1 $0x0  }
0x14: {  	s2 =	sld [smem:$0x3F9C];
	s0 =	simm.s32 @p1 $0x1  }
0x15: {  	[smem:$0x3FB9] =	sst s0;
	s0 =	simm.s32 @!p2 $0x0  }
0x16: {  	s3 =	sld [smem:$0x3FDB];
	s0 =	simm.s32 @p2 $0x1  }
0x17: {  	s4 =	simm.s32 $0x1BF5;
	[smem:$0x3FBB] =	sst s0  }
0x18: {  	s0 =	sld [smem:$0x3F9E];
	_ =	swait.ge [sflag:s4], $0x0  }
0x19: {  	s7 =	sld [smem:$0x3F9F]  }
0x1a: {  	s8 =	sadd.s32 $0xFFFFE003, lr  }
0x1b: {  	s9 =	sadd.s32 $0xFFFFFEF7, lr;
	s5 =	simm.s32 $0xFFFFFFFF;
	p2 =	slt.u32 s8, $0xFFFFF086  }
0x1c: {  	p1 =	slt.u32 s9, $0xF7A;
	s5 =	simm.s32 @!p2 $0x0  }
0x1d: {  	s5 =	simm.s32 @p1 $0x1;
	p0 =	seq.s32 s7, s2  }
0x1e: {  	s7 =	smul.u32 @!p0 $0xF7A, s2;
	p2 =	seq.s32 @!p0 s5, $0x0  }
0x1f: {  	s9 =	smul.u32 $0xF7A, s1;
	s8 =	simm.s32 @!p0 $0x1BF5;
	p2 =	por !p2, p0  }
0x20: {  	[sflag:s8] =	ssyncset.s32 @!p0 $0xFFFFF086;
	s6 =	sadd.s32 @!p0 s3, s7;
	s7 =	simm.s32 @!p0 $0x108  }
0x21: {  	s3 =	sadd.s32 s3, s9;
	s6 =	sadd.s32 @!p0 $0x88, s6;
	s7 =	simm.s32 @p2 $0x1082  }
0x22: {  	[simem:s7], [sflag:s8] =	dma.local @!p0 [hbm:s6], $0xF7A  }
0x23: {  	s9 =	sor.u32 $0xD0000000, s2;
	s6 =	simm.s32 $0x108;
	_ =	swait.ge @!p0 [sflag:s8], $0x0  }
0x24: {  	s3 =	sadd.s32 $0x88, s3;
	s6 =	simm.s32 @!p1 $0x1082;
	[sflag:s4] =	ssyncset.s32 $0xFFFFF086  }
0x25: {  	[simem:s6], [sflag:s4] =	dma.local [hbm:s3], $0xF7A  }
0x26: {  	[smem:$0x3F9F] =	sst s1;
	(tag) =	ssettag s2;
	_ =	strace s9  }
0x27: {  	s1 =	sld [smem:$0x3FAF]  }
0x28: {  	s2 =	sld [smem:$0x3FB0]  }
0x29: {  	s4 =	sld [smem:$0x3FB2]  }
0x2a: {  	p0 =	seq.s32 s5, $0x0;
	s5 =	sld [smem:$0x3FB3]  }
0x2b: {  	s6 =	sld [smem:$0x3FB4]  }
0x2c: {  	s7 =	sld [smem:$0x3FB5]  }
0x2d: {  	s3 =	simm.s32 $0x108;
	s8 =	sld [smem:$0x3FB6]  }
0x2e: {  	s3 =	simm.s32 @!p0 $0x1082;
	s9 =	sld [smem:$0x3FB7]  }
0x2f: {  	lr =	sadd.s32 s0, s3;
	s0 =	sld [smem:$0x3FAE]  }
0x30: {  	s3 =	sld [smem:$0x3FB1]  }
0x31: {  	[smem:$0x3FBA] =	sst s10  }
0x32: {  	s10 =	sld [smem:$0x3FB8];
	_ =	sdelay $0x3  }
0x33: {  	p0 =	seq.s32 s10, $0x1;
	s10 =	sld [smem:$0x3FBA];
	_ =	sdelay $0x3  }
0x34: {  	[smem:$0x3FBA] =	sst s10  }
0x35: {  	s10 =	sld [smem:$0x3FB9];
	_ =	sdelay $0x3  }
0x36: {  	p1 =	seq.s32 s10, $0x1;
	s10 =	sld [smem:$0x3FBA];
	_ =	sdelay $0x3  }
0x37: {  	[smem:$0x3FBA] =	sst s10  }
0x38: {  	s10 =	sld [smem:$0x3FBB]  }
0x39: {  	_ = 	snop;
	(pc) =	sbr.ind lr, $3  }
0x3a: {  	_ = 	snop  }
0x3b: {  	_ = 	snop  }
0x3c: {  	p2 =	seq.s32 s10, $0x1;
	s10 =	sld [smem:$0x3FBA]  }
0x3d: {  	_ =	shalt  }
0x3e: {  	_ =	shalt  }
0x3f: {  	_ =	shalt  }
0x40: {  	_ =	shalt  }
0x41: {  	_ =	shalt  }
0x42: {  	_ =	shalt  }
0x43: {  	_ =	shalt  }
0x44: {  	_ =	shalt  }
0x45: {  	_ =	shalt  }
0x46: {  	_ =	shalt  }
0x47: {  	_ =	shalt  }
0x48: {  	_ =	shalt  }
0x49: {  	_ =	shalt  }
0x4a: {  	_ =	shalt  }
0x4b: {  	_ =	shalt  }
0x4c: {  	_ =	shalt  }
0x4d: {  	_ =	shalt  }
0x4e: {  	_ =	shalt  }
0x4f: {  	_ =	shalt  }
0x50: {  	_ =	shalt  }
0x51: {  	_ =	shalt  }
0x52: {  	_ =	shalt  }
0x53: {  	_ =	shalt  }
0x54: {  	_ =	shalt  }
0x55: {  	_ =	shalt  }
0x56: {  	_ =	shalt  }
0x57: {  	_ =	shalt  }
0x58: {  	_ =	shalt  }
0x59: {  	_ =	shalt  }
0x5a: {  	_ =	shalt  }
0x5b: {  	_ =	shalt  }
0x5c: {  	_ =	shalt  }
0x5d: {  	_ =	shalt  }
0x5e: {  	_ =	shalt  }
0x5f: {  	_ =	shalt  }
0x60: {  	_ =	shalt  }
0x61: {  	_ =	shalt  }
0x62: {  	_ =	shalt  }
0x63: {  	_ =	shalt  }
0x64: {  	_ =	shalt  }
0x65: {  	_ =	shalt  }
0x66: {  	_ =	shalt  }
0x67: {  	_ =	shalt  }
0x68: {  	_ =	shalt  }
0x69: {  	_ =	shalt  }
0x6a: {  	_ =	shalt  }
0x6b: {  	_ =	shalt  }
0x6c: {  	_ =	shalt  }
0x6d: {  	_ =	shalt  }
0x6e: {  	_ =	shalt  }
0x6f: {  	_ =	shalt  }
0x70: {  	_ =	shalt  }
0x71: {  	_ =	shalt  }
0x72: {  	_ =	shalt  }
0x73: {  	_ =	shalt  }
0x74: {  	_ =	shalt  }
0x75: {  	_ =	shalt  }
0x76: {  	_ =	shalt  }
0x77: {  	_ =	shalt  }
0x78: {  	_ =	shalt  }
0x79: {  	_ =	shalt  }
0x7a: {  	_ =	shalt  }
0x7b: {  	_ =	shalt  }
0x7c: {  	_ =	shalt  }
0x7d: {  	_ =	shalt  }
0x7e: {  	_ =	shalt  }
0x7f: {  	_ =	shalt  }
0x80: {  	_ =	shalt  }
0x81: {  	_ =	shalt  }
0x82: {  	_ =	shalt  }
0x83: {  	_ =	shalt  }
0x84: {  	_ =	shalt  }
0x85: {  	_ =	shalt  }
0x86: {  	_ =	shalt  }
0x87: {  	_ =	shalt  }
.Lfunc_end0:
.L_simem_size_0:
called_computation_lowered:
.L_overlay_start_0:
0x88: {  	s2 =	sld [smem:$0x3FD9]  }
0x89: {  	s3 =	sld [smem:$0x3FFE];
	_ =	sdelay $0x1  }
0x8a: {  	s1 =	srdreg.scid  }
0x8b: {  	s0 =	sand.u32 $0x1, s1  }
0x8c: {  	s18 =	sshll.u32 s0, $0xA;
	s2 =	sadd.s32 s3, s2  }
0x8d: {  	s2 =	sadd.s32 s2, s18  }
0x8e: {  	[smem:$0x3FC6] =	sst s2  }
0x8f: {  	_ = 	snop  }
0x90: {  	s2 =	sld [smem:$0x3FC9]  }
0x91: {  	s19 =	sld [smem:$0x3FC8]  }
0x92: {  	s4 =	sld [smem:$0x3FD0];
	(tm) =	ssettm $0x1  }
0x93: {  	s5 =	sld [smem:$0x3FFB];
	_ =	sdelay $0x3  }
0x94: {  	_ =	strace s5  }
0x95: {  	s5 =	sld [smem:$0x3FFC];
	_ =	sdelay $0x3  }
0x96: {  	_ =	strace s5  }
0x97: {  	s5 =	sld [smem:$0x3FFD];
	_ =	sdelay $0x3  }
0x98: {  	_ =	strace s5  }
0x99: {  	_ =	strace $0x8FFFFFFF  }
0x9a: {  	s20 =	sld [smem:$0x3FDB];
	_ =	sdelay $0x1  }
0x9b: {  	s6 =	simm.s32 $_scs_section_size  }
0x9c: {  	s7 =	simm.s32 $_size__tile_overlayer_lowered;
	s8 =	simm.s32 $_tile_overlayer_lowered  }
0x9d: {  	s23 =	simm.s32 $0x1BFF;
	s22 =	sshll.u32 s8, $0x1;
	s5 =	sadd.s32 s6, s20  }
0x9e: {  	s9 =	simm.s32 $0x0;
	s21 =	sshll.u32 s7, $0x1;
	s7 =	sadd.s32 s22, s5  }
0x9f: {  	[timem:s9], [sflag:s23] =	dma.local [hbm:s7], s21  }
0xa0: {  	_ =	swait.ge [sflag:s23], s21  }
0xa1: {  	s6 =	ssub.s32 $0x0, s21;
	[sflag:s23] =	ssyncset.done $0x0  }
0xa2: {  	[sflag:s23] =	ssyncadd.s32 s6;
	_ =	sdelay $0x1  }
0xa3: {  	s24 =	simm.s32 $0x1B8B  }
0xa4: {  	_ =	swait.ge [sflag:s24], $0x1  }
0xa5: {  	[sflag:s24] =	ssyncset.done $0x0  }
0xa6: {  	s25 =	simm.s32 $0x1B8E;
	[sflag:s24] =	ssyncadd.s32 $0xFFFFFFFF  }
0xa7: {  	s26 =	simm.s32 $execute0_lowered;
	[smem:$0x3FD2] =	sst s25  }
0xa8: {  	s6 =	sshll.u32 s26, $0x1;
	_ =	strace $0x80000046;
	[dreg:$0x1] =	wrdreg $0xFFFFFFFF  }
0xa9: {  	s28 =	simm.s32 $_size_execute0_lowered;
	s5 =	sadd.s32 s5, s6;
	[dreg:$0x0] =	wrdreg $0x0  }
0xaa: {  	s6 =	sshll.u32 s28, $0x1;
	[dreg:$0x2] =	wrdreg s5  }
0xab: {  	[dreg:$0x3] =	wrdreg s6  }
0xac: {  	[dreg:$0x4] =	wrdreg $0xC0  }
0xad: {  	_ =	task [dreg:s9], $0x5FFFF  }
0xae: {  	[dreg:$0x1] =	wrdreg $0xFFFFFFFF  }
0xaf: {  	[dreg:$0x0] =	wrdreg $0x60  }
0xb0: {  	[dreg:$0x2] =	wrdreg s19  }
0xb1: {  	[dreg:$0x3] =	wrdreg s2  }
0xb2: {  	[dreg:$0x4] =	wrdreg s4  }
0xb3: {  	[dreg:$0x5] =	wrdreg $0x9  }
0xb4: {  	_ =	task.clear_ibuf [dreg:s9], $0x6FFFF;
	_ =	strace $0x90000046  }
0xb5: {  	s29 =	simm.s32 $0x9;
	_ =	strace $0x80000048  }
0xb6: {  	_ =	swait.ge [sflag:s29], $0x1  }
0xb7: {  	[sflag:s29] =	ssyncadd.s32 $0xFFFFFFFF  }
0xb8: {  	_ =	strace $0x90000048  }
0xb9: {  	_ =	sfence  }
0xba: {  	s30 =	sld [smem:$0x0];
	_ =	sdelay $0x2  }
0xbb: {  	s31 =	sshll.u32 s1, $0xD;
	s1 =	sshrl.u32 s1, $0x2  }
0xbc: {  	s3 =	sand.u32 $0x4000, s31;
	s1 =	sadd.s32 s1, s30  }
0xbd: {  	s0 =	sor.u32 s3, s0;
	s1 =	sshll.u32 s1, $0x11  }
0xbe: {  	s0 =	sor.u32 s1, s0  }
0xbf: {  	s0 =	sadd.s32 $0x8F2B, s0  }
0xc0: {  	[sflag:s0] =	ssyncadd.remote.s32 $0x1  }
0xc1: {  	_ =	sfence.sel $0xFFFF  }
0xc2: {  	[dreg:$0x0] =	wrdreg $0xFFFFFFFF;
	(pc) =	sbr.abs _section_cstart, $3  }
0xc3: {  	[dreg:$0x1] =	wrdreg $0xFFFFFFFF  }
0xc4: {  	_ =	task.clear_ibuf [dreg:s9], $0x2FFFF;
	_ =	strace $0x9FFFFFFF  }
0xc5: {  	(tm) =	ssettm $0x7FFFFFFF  }
tec
execute0_lowered:
.L_overlay_start_1:
0x0: {  	(tag) =	ssettag $0x1  }
0x1: {  	s1 =	rddreg [dreg:$0x0]  }
0x2: {  	s4 =	rddreg [dreg:$0x1]  }
0x3: {  	s6 =	rddreg [dreg:$0x2]  }
0x4: {  	s0 =	rddreg [dreg:$0x3];
	s5 =	srdreg.scid  }
0x5: {  	s3 =	simm.s32 $0x0;
	s2 =	stileid.u32;
	s9 =	simm.s32 $0x8000  }
0x6: {  	s10 =	simm.s32 $0x1800;
	s11 =	simm.s32 $0xB;
	s12 =	simm.s32 $0x80  }
0x7: {  	s13 =	simm.s32 $0x5C00;
	s14 =	simm.s32 $0x100;
	s15 =	simm.s32 $0x9C00  }
0x8: {  	s16 =	simm.s32 $0x9;
	s17 =	simm.s32 $0xA;
	s5 =	sand.u32 $0x1, s5  }
0x9: {  	s18 =	simm.s32 $0x0;
	s7 =	sshll.u32 s2, $0x8;
	s8 =	sshll.u32 s5, $0x7  }
0xa: {  	[smem:$0x7FF] =	sst s3;
	s5 =	ssub.s32 $0x2, s5;
	s7 =	sor.u32 s8, s7  }
0xb: {  	_ =	strace $0x80000047;
	s31 =	sshrl.u32 s5, $0x1;
	s4 =	sadd.s32 s4, s7  }
0xc: {  	s7 =	sshll.u32 s7, $0x4;
	s8 =	ssub.s32 s5, s31;
	s5 =	sadd.s32 $0x6000, s4  }
0xd: {  	s6 =	sadd.s32 s6, s7;
	s7 =	smax.u32 s8, $0x1;
	s8 =	simm.s32 $0x400  }
.LBB2_1:
0xe: {  	[tilespmem:s3], [sflag:$0xB] =	stream.strided.gather [hbm4b:s4+s8], $0x1800, s9, s8, $0x38;
	[tilespmem:$0x15C00] =	vst v63  }
0xf: {  	_ = 	snop  }
0x10: {  	[tilespmem:s10], [sflag:$0xB] =	stream.linear.gather [hbm4b:s5+s3], $0x100, $0x38;
	[tilespmem:$0x15C00] =	vst v63  }
0x11: {  	_ =	swait.ge [sflag:s11], $0x1900  }
0x12: {  	[sflag:s11] =	ssyncset.done $0x0  }
0x13: {  	s19 =	simm.s32 $0x1C00;
	[sflag:s11] =	ssyncadd.s32 $0xFFFFE700  }
0x14: {  	[tilespmem:s19], [sflag:$0x1] =	stream.indirect.gather [hbm4b:s1+s12], $0x80, s3, s12, $0xb8;
	[tilespmem:$0x15C00] =	vst v63  }
0x15: {  	_ = 	snop  }
0x16: {  	[tilespmem:s13], [sflag:$0x2] =	stream.indirect.gather [hbm4b:s1+s12], $0x80, s12, s12, $0xb8;
	[tilespmem:$0x15C00] =	vst v63  }
0x17: {  	s20 =	simm.s32 $0x0  }
0x18: {  	[tilespmem:s15], [sflag:$0x3] =	stream.indirect.gather [hbm4b:s1+s12], $0x80, s14, s12, $0xb8;
	[tilespmem:$0x15C00] =	vst v63  }
.LBB2_2:
0x19: {  	s21 =	smul.u32 $0xCD, s20;
	_ =	sdelay $0x1  }
0x1a: {  	s22 =	sadd.s32 $0x267, s21  }
0x1b: {  	s22 =	sshrl.u32 s22, $0xA  }
0x1c: {  	s22 =	sand.u32 $0x3F, s22  }
0x1d: {  	s22 =	smul.u32 $0x5, s22  }
0x1e: {  	s23 =	sadd.s32 $0x3, s20  }
0x1f: {  	s22 =	ssub.s32 s23, s22  }
0x20: {  	p0 =	slt.u32 s20, $0x2;
	s22 =	sand.u32 $0xFF, s22  }
0x21: {  	s24 =	sadd.s32 @!p0 $0x6, s22  }
0x22: {  	p1 =	sgt.u32 @!p0 s20, $0x2E;
	_ =	swait.ge @!p0 [sflag:s24], $0x4000  }
0x23: {  	s29 =	smulhi.u32 $0xCCCCCCCD, s20;
	p1 =	por p0, !p1;
	[sflag:s24] =	ssyncset.done @!p0 $0x0  }
0x24: {  	s23 =	sshll.u32 @p1 s23, $0x7;
	[sflag:s24] =	ssyncadd.s32 @!p0 $0xFFFFC000;
	s24 =	sshll.u32 @p1 s22, $0xE  }
0x25: {  	s23 =	sand.u32 @p1 $0x3FFFFF80, s23;
	s22 =	sadd.s32 @p1 $0x1, s22;
	s24 =	sor.u32 @p1 $0x1C00, s24  }
0x26: {  	[tilespmem:s24], [sflag:s22] =	stream.indirect.gather @p1 [hbm4b:s1+s12], $0x80, s23, s12, $0xb8;
	[tilespmem:$0x15C00] =	vst v63  }
0x27: {  	s21 =	sshrl.u32 s21, $0xA;
	s22 =	sshrl.u32 s29, $0x2  }
0x28: {  	s21 =	sand.u32 $0x3F, s21;
	s22 =	smul.u32 $0xFFFB0000, s22  }
0x29: {  	s21 =	smul.u32 $0x5, s21  }
0x2a: {  	s22 =	sshra.s32 s22, $0x2  }
0x2b: {  	s21 =	ssub.s32 s20, s21;
	s22 =	sadd.s32 s22, s19  }
0x2c: {  	s21 =	sand.u32 $0xFF, s21;
	v0 =	vmov s22  }
0x2d: {  	s30 =	sadd.s32 $0x1, s21  }
0x2e: {  	_ =	swait.ge [sflag:s30], $0x4000  }
0x2f: {  	[sflag:s30] =	ssyncset.done $0x0  }
0x30: {  	s23 =	simm.s32 $0x0;
	[sflag:s30] =	ssyncadd.s32 $0xFFFFC000  }
0x31: {  	v1 =	vld.idx.msk [tilespmem:v0+s23+$0x0 ss:$0x1], $0xffff;
	_ =	sdelay $0x4  }
0x32: {  	v1 =	vmul.f32 $1.131370830e+01, v1;
	_ =	sdelay $0x1  }
0x33: {  	[tilespmem:v0+s23+$0x0 ss:$0x1] =	vst.idx.msk $0xffff, v1  }
0x34: {  	v1 =	vld.idx.msk [tilespmem:v0+s23+$0x10 ss:$0x1], $0xffff;
	_ =	sdelay $0x4  }
0x35: {  	v1 =	vmul.f32 $1.131370830e+01, v1;
	_ =	sdelay $0x1  }
0x36: {  	[tilespmem:v0+s23+$0x10 ss:$0x1] =	vst.idx.msk $0xffff, v1  }
0x37: {  	v1 =	vld.idx.msk [tilespmem:v0+s23+$0x20 ss:$0x1], $0xffff;
	_ =	sdelay $0x4  }
0x38: {  	v1 =	vmul.f32 $1.131370830e+01, v1;
	_ =	sdelay $0x1  }
0x39: {  	[tilespmem:v0+s23+$0x20 ss:$0x1] =	vst.idx.msk $0xffff, v1  }
0x3a: {  	v1 =	vld.idx.msk [tilespmem:v0+s23+$0x30 ss:$0x1], $0xffff;
	_ =	sdelay $0x4  }
0x3b: {  	v1 =	vmul.f32 $1.131370830e+01, v1;
	_ =	sdelay $0x1  }
0x3c: {  	[tilespmem:v0+s23+$0x30 ss:$0x1] =	vst.idx.msk $0xffff, v1  }
0x3d: {  	v1 =	vld.idx.msk [tilespmem:v0+s23+$0x40 ss:$0x1], $0xffff;
	_ =	sdelay $0x4  }
0x3e: {  	v1 =	vmul.f32 $1.131370830e+01, v1;
	_ =	sdelay $0x1  }
0x3f: {  	[tilespmem:v0+s23+$0x40 ss:$0x1] =	vst.idx.msk $0xffff, v1  }
0x40: {  	v1 =	vld.idx.msk [tilespmem:v0+s23+$0x50 ss:$0x1], $0xffff;
	_ =	sdelay $0x4  }
0x41: {  	v1 =	vmul.f32 $1.131370830e+01, v1;
	_ =	sdelay $0x1  }
0x42: {  	[tilespmem:v0+s23+$0x50 ss:$0x1] =	vst.idx.msk $0xffff, v1  }
0x43: {  	v1 =	vld.idx.msk [tilespmem:v0+s23+$0x60 ss:$0x1], $0xffff;
	_ =	sdelay $0x4  }
0x44: {  	v1 =	vmul.f32 $1.131370830e+01, v1;
	_ =	sdelay $0x1  }
0x45: {  	[tilespmem:v0+s23+$0x60 ss:$0x1] =	vst.idx.msk $0xffff, v1  }
0x46: {  	v1 =	vld.idx.msk [tilespmem:v0+s23+$0x70 ss:$0x1], $0xffff;
	_ =	sdelay $0x3  }
0x47: {  	s31 =	sshll.u32 s21, $0xE  }
0x48: {  	s25 =	simm.s32 $0x400;
	s24 =	simm.s32 $0x200;
	s22 =	sor.u32 $0x1C00, s31;
	v1 =	vmul.f32 $1.131370830e+01, v1  }
.LBB2_3:
0x49: {  	p0 =	sne.s32 s25, $0xFE00  }
0x4a: {  	[tilespmem:v0+s23+$0x70 ss:$0x1] =	vst.idx.msk $0xffff, v1;
	s23 =	sshra.s32 s24, $0x2;
	s24 =	smov.u32 s25;
	s25 =	sadd.s32 $0x200, s25  }
0x4b: {  	v1 =	vld.idx.msk [tilespmem:v0+s23+$0x0 ss:$0x1], $0xffff;
	_ =	sdelay $0x5  }
0x4c: {  	v1 =	vmul.f32 $1.131370830e+01, v1;
	_ =	sdelay $0x1  }
0x4d: {  	[tilespmem:v0+s23+$0x0 ss:$0x1] =	vst.idx.msk $0xffff, v1  }
0x4e: {  	v1 =	vld.idx.msk [tilespmem:v0+s23+$0x10 ss:$0x1], $0xffff;
	_ =	sdelay $0x5  }
0x4f: {  	v1 =	vmul.f32 $1.131370830e+01, v1;
	_ =	sdelay $0x1  }
0x50: {  	[tilespmem:v0+s23+$0x10 ss:$0x1] =	vst.idx.msk $0xffff, v1  }
0x51: {  	v1 =	vld.idx.msk [tilespmem:v0+s23+$0x20 ss:$0x1], $0xffff;
	_ =	sdelay $0x5  }
0x52: {  	v1 =	vmul.f32 $1.131370830e+01, v1;
	_ =	sdelay $0x1  }
0x53: {  	[tilespmem:v0+s23+$0x20 ss:$0x1] =	vst.idx.msk $0xffff, v1  }
0x54: {  	v1 =	vld.idx.msk [tilespmem:v0+s23+$0x30 ss:$0x1], $0xffff;
	_ =	sdelay $0x5  }
0x55: {  	v1 =	vmul.f32 $1.131370830e+01, v1;
	_ =	sdelay $0x1  }
0x56: {  	[tilespmem:v0+s23+$0x30 ss:$0x1] =	vst.idx.msk $0xffff, v1  }
0x57: {  	v1 =	vld.idx.msk [tilespmem:v0+s23+$0x40 ss:$0x1], $0xffff;
	_ =	sdelay $0x5  }
0x58: {  	v1 =	vmul.f32 $1.131370830e+01, v1;
	_ =	sdelay $0x1  }
0x59: {  	[tilespmem:v0+s23+$0x40 ss:$0x1] =	vst.idx.msk $0xffff, v1  }
0x5a: {  	v1 =	vld.idx.msk [tilespmem:v0+s23+$0x50 ss:$0x1], $0xffff;
	_ =	sdelay $0x5  }
0x5b: {  	v1 =	vmul.f32 $1.131370830e+01, v1;
	_ =	sdelay $0x1  }
0x5c: {  	[tilespmem:v0+s23+$0x50 ss:$0x1] =	vst.idx.msk $0xffff, v1  }
0x5d: {  	v1 =	vld.idx.msk [tilespmem:v0+s23+$0x60 ss:$0x1], $0xffff;
	_ =	sdelay $0x5  }
0x5e: {  	v1 =	vmul.f32 $1.131370830e+01, v1;
	_ =	sdelay $0x1  }
0x5f: {  	[tilespmem:v0+s23+$0x60 ss:$0x1] =	vst.idx.msk $0xffff, v1  }
0x60: {  	v1 =	vld.idx.msk [tilespmem:v0+s23+$0x70 ss:$0x1], $0xffff;
	_ =	sdelay $0x1  }
.Ltmp0:
0x61: {  	(pc) =	sbr.rel @p0 .LBB2_3-.Ltmp0, $2  }
0x62: {  	_ =	sdelay $0x2  }
0x63: {  	v1 =	vmul.f32 $1.131370830e+01, v1  }
0x64: {  	_ =	sdelay $0x3  }
0x65: {  	s24 =	sshra.s32 s24, $0x2;
	[tilespmem:v0+s23+$0x70 ss:$0x1] =	vst.idx.msk $0xffff, v1  }
0x66: {  	v1 =	vld.idx.msk [tilespmem:v0+s24+$0x0 ss:$0x1], $0xffff;
	_ =	sdelay $0x4  }
0x67: {  	v1 =	vmul.f32 $1.131370830e+01, v1;
	_ =	sdelay $0x1  }
0x68: {  	[tilespmem:v0+s24+$0x0 ss:$0x1] =	vst.idx.msk $0xffff, v1  }
0x69: {  	v1 =	vld.idx.msk [tilespmem:v0+s24+$0x10 ss:$0x1], $0xffff;
	_ =	sdelay $0x4  }
0x6a: {  	v1 =	vmul.f32 $1.131370830e+01, v1;
	_ =	sdelay $0x1  }
0x6b: {  	[tilespmem:v0+s24+$0x10 ss:$0x1] =	vst.idx.msk $0xffff, v1  }
0x6c: {  	v1 =	vld.idx.msk [tilespmem:v0+s24+$0x20 ss:$0x1], $0xffff;
	_ =	sdelay $0x4  }
0x6d: {  	v1 =	vmul.f32 $1.131370830e+01, v1;
	_ =	sdelay $0x1  }
0x6e: {  	[tilespmem:v0+s24+$0x20 ss:$0x1] =	vst.idx.msk $0xffff, v1  }
0x6f: {  	v1 =	vld.idx.msk [tilespmem:v0+s24+$0x30 ss:$0x1], $0xffff;
	_ =	sdelay $0x4  }
0x70: {  	v1 =	vmul.f32 $1.131370830e+01, v1;
	_ =	sdelay $0x1  }
0x71: {  	[tilespmem:v0+s24+$0x30 ss:$0x1] =	vst.idx.msk $0xffff, v1  }
0x72: {  	v1 =	vld.idx.msk [tilespmem:v0+s24+$0x40 ss:$0x1], $0xffff;
	_ =	sdelay $0x4  }
0x73: {  	v1 =	vmul.f32 $1.131370830e+01, v1;
	_ =	sdelay $0x1  }
0x74: {  	[tilespmem:v0+s24+$0x40 ss:$0x1] =	vst.idx.msk $0xffff, v1  }
0x75: {  	v1 =	vld.idx.msk [tilespmem:v0+s24+$0x50 ss:$0x1], $0xffff;
	_ =	sdelay $0x4  }
0x76: {  	v1 =	vmul.f32 $1.131370830e+01, v1;
	_ =	sdelay $0x1  }
0x77: {  	[tilespmem:v0+s24+$0x50 ss:$0x1] =	vst.idx.msk $0xffff, v1  }
0x78: {  	v1 =	vld.idx.msk [tilespmem:v0+s24+$0x60 ss:$0x1], $0xffff;
	_ =	sdelay $0x4  }
0x79: {  	v1 =	vmul.f32 $1.131370830e+01, v1;
	_ =	sdelay $0x1  }
0x7a: {  	[tilespmem:v0+s24+$0x60 ss:$0x1] =	vst.idx.msk $0xffff, v1  }
0x7b: {  	v1 =	vld.idx.msk [tilespmem:v0+s24+$0x70 ss:$0x1], $0xffff;
	_ =	sdelay $0x1  }
0x7c: {  	s31 =	sshll.u32 s20, $0x10;
	s20 =	sadd.s32 $0x1, s20  }
0x7d: {  	p0 =	sne.s32 s20, $0x32  }
.Ltmp1:
0x7e: {  	_ = 	snop;
	(pc) =	sbr.rel @p0 .LBB2_2-.Ltmp1, $3  }
0x7f: {  	v1 =	vmul.f32 $1.131370830e+01, v1;
	_ =	sdelay $0x1  }
0x80: {  	s21 =	sadd.s32 $0x6, s21;
	s19 =	sadd.s32 $0x4000, s19;
	s23 =	sadd.s32 s31, s6;
	[tilespmem:v0+s24+$0x70 ss:$0x1] =	vst.idx.msk $0xffff, v1  }
0x81: {  	[hbm4b:s23+s3] =	stream.linear.scatter [tilespmem:s22], [sflag:s21], $0x4000, $0x38;
	[tilespmem:$0x15C00] =	vst v63  }
0x82: {  	s18 =	sadd.s32 $0x1, s18  }
0x83: {  	_ =	swait.ge [sflag:s16], $0x4000;
	p0 =	sne.s32 s18, s7  }
.Ltmp2:
0x84: {  	[sflag:s16] =	ssyncset.done $0x0;
	(pc) =	sbr.rel @p0 .LBB2_1-.Ltmp2, $4  }
0x85: {  	[sflag:s16] =	ssyncadd.s32 $0xFFFFC000  }
0x86: {  	_ =	swait.ge [sflag:s17], $0x4000  }
0x87: {  	[sflag:s17] =	ssyncset.done $0x0  }
0x88: {  	[sflag:s17] =	ssyncadd.s32 $0xFFFFC000  }
0x89: {  	_ =	sfence.sel $0x180000  }
0x8a: {  	[bflag:$0x0] =	sbarrier.arrive $0xFFFF  }
0x8b: {  	p0 =	sne.s32 s2, $0x0;
	_ =	strace $0x90000047  }
0x8c: {  	s0 =	sadd.s32 @!p0 $0x100000, s0;
	[bflag:$0x2] =	sbarrier.arrive $0xFFFF  }
0x8d: {  	[sflag:s0] =	ssyncadd.tile.s32 @!p0 $0x1;
	_ =	shalt  }
.Lfunc_end2:
_tile_overlayer_lowered:
.L_overlay_start_2:
0x8e: {  	(tag) =	ssettag $0x2  }
0x8f: {  	s0 =	rddreg [dreg:$0x0];
	s2 =	stileid.u32  }
0x90: {  	s1 =	rddreg [dreg:$0x1];
	p0 =	sne.s32 s2, $0x0  }
0x91: {  	s3 =	rddreg [dreg:$0x2];
	[bflag:$0x3] =	sbarrier.arrive $0xFFFF;
	s2 =	simm.s32 @!p0 $0x1C0B  }
0x92: {  	[timem:s3], [sflag:s2] =	dma.local @!p0 [hbm:s0], s1  }
0x93: {  	s0 =	simm.s32 @!p0 $0xB  }
0x94: {  	_ =	swait.ge @!p0 [sflag:s0], s1  }
0x95: {  	s1 =	ssub.s32 @!p0 $0x0, s1;
	[sflag:s0] =	ssyncset.done @!p0 $0x0  }
0x96: {  	[sflag:s0] =	ssyncadd.s32 @!p0 s1  }
0x97: {  	[bflag:$0x3] =	sbarrier.arrive $0xFFFF  }
0x98: {  	_ =	shalt  }

</sc_bundles>
